<compile_context>
chip_gen: v7x
topology: tpu7x:2x2x1
jax: 0.10.2.dev20260603
libtpu: 0.0.44.dev20260713+nightly
codegen_flags: <defaults>
</compile_context>

<pallas_src>
import jax
import jax.numpy as jnp
from jax import lax
from jax.experimental import pallas as pl
from jax.experimental.pallas import tpu as pltpu
from jax.experimental.pallas import tpu_sc as plsc
import functools

EPS = 1e-12
H = 768
NCHUNK = H // 16
R = 64


def _lanesum(v):
    iota = lax.iota(jnp.int32, 16)
    dnums = lax.GatherDimensionNumbers(
        offset_dims=(), collapsed_slice_dims=(0,), start_index_map=(0,))
    for k in (8, 4, 2, 1):
        idx = lax.bitwise_xor(iota, jnp.int32(k))
        v = v + lax.gather(v, idx[:, None], dnums, (1,),
                           mode=lax.GatherScatterMode.PROMISE_IN_BOUNDS)
    return v


def _rsqrt16(v):
    i = lax.bitcast_convert_type(v, jnp.int32)
    y = lax.bitcast_convert_type(
        jnp.int32(0x5F3759DF) - lax.shift_right_arithmetic(i, 1), jnp.float32)
    for _ in range(4):
        y = y * (1.5 - 0.5 * v * y * y)
    return y


def kernel(x, pos_table, gamma, beta):
    b, s, hdim = x.shape
    nrows = b * s
    info = plsc.get_sparse_core_info()
    nw = info.num_cores * info.num_subcores
    rows_pw = nrows // nw
    nsteps = rows_pw // R

    xf = x.reshape(-1)
    posf = pos_table.reshape(-1)

    mesh = plsc.VectorSubcoreMesh(core_axis_name="c", subcore_axis_name="s")

    @functools.partial(
        pl.kernel,
        out_type=jax.ShapeDtypeStruct((nrows * hdim,), jnp.float32),
        mesh=mesh,
        scratch_types=[
            pltpu.VMEM((R * H,), jnp.float32),
            pltpu.VMEM((R * H,), jnp.float32),
            pltpu.VMEM((H,), jnp.float32),
            pltpu.VMEM((H,), jnp.float32),
        ],
    )
    def sc_k(x_hbm, pos_hbm, gamma_hbm, beta_hbm, out_hbm, xbuf, pbuf, gbuf, bbuf):
        wid = lax.axis_index("s") * info.num_cores + lax.axis_index("c")
        base = wid * rows_pw * H
        pbase = (wid * rows_pw % s) * H
        pltpu.sync_copy(gamma_hbm, gbuf)
        pltpu.sync_copy(beta_hbm, bbuf)

        def step(si, _):
            off = base + si * R * H
            poff = pbase + si * R * H
            pltpu.sync_copy(x_hbm.at[pl.ds(off, R * H)], xbuf)
            pltpu.sync_copy(pos_hbm.at[pl.ds(poff, R * H)], pbuf)

            def row(ri, _):
                rb = ri * H

                def chunk1(j, acc):
                    a1, a2 = acc
                    v = xbuf[pl.ds(rb + j * 16, 16)] + pbuf[pl.ds(rb + j * 16, 16)]
                    xbuf[pl.ds(rb + j * 16, 16)] = v
                    return a1 + v, a2 + v * v

                a1, a2 = lax.fori_loop(
                    0, NCHUNK, chunk1,
                    (jnp.zeros((16,), jnp.float32), jnp.zeros((16,), jnp.float32)))
                mean_v = _lanesum(a1) * (1.0 / H)
                var_v = _lanesum(a2) * (1.0 / H) - mean_v * mean_v
                inv_v = _rsqrt16(var_v + EPS)

                def chunk2(j, _):
                    sl = pl.ds(rb + j * 16, 16)
                    gl = pl.ds(j * 16, 16)
                    xbuf[sl] = (xbuf[sl] - mean_v) * inv_v * gbuf[gl] + bbuf[gl]
                    return 0

                lax.fori_loop(0, NCHUNK, chunk2, 0)
                return 0

            lax.fori_loop(0, R, row, 0)
            pltpu.sync_copy(xbuf, out_hbm.at[pl.ds(off, R * H)])
            return 0

        lax.fori_loop(0, nsteps, step, 0)

    out = sc_k(xf, posf, gamma, beta)
    return out.reshape(b, s, hdim)

# --- scband reference (transcript-rebuilt; emitter-appended) ---
"""Pipeline reference for scband-trans-embeddings-46127948759803 (READ-ONLY COPY).

The authoritative reference and input builder live on the scoring server;
editing this copy changes nothing except your own understanding.
"""

import jax, jax.numpy as jnp
import numpy as np

EPS = 1e-12

def setup_inputs(seed: int = 0) -> dict:
    key = jax.random.key(seed)
    k1, k2 = jax.random.split(key)
    x = jax.random.normal(k1, (4, 8192, 768), dtype=jnp.float32)
    pos_table = jax.random.normal(k2, (8192, 768), dtype=jnp.float32) * 0.02
    gamma = jnp.ones((768,), dtype=jnp.float32)
    beta = jnp.zeros((768,), dtype=jnp.float32)
    return {"x": x, "pos_table": pos_table, "gamma": gamma, "beta": beta}

def reference(x, pos_table, gamma, beta):
    # position ids: arange(seq_len), broadcast over batch
    seq_len = x.shape[1]
    position_ids = jnp.arange(seq_len, dtype=jnp.int32)
    # embedding lookup: gather rows of pos_table
    pos_emb = jnp.take(pos_table, position_ids, axis=0)  # [S, H]
    embeddings = x + pos_emb[None, :, :]
    # LayerNorm over last dim (eval mode; dropout is identity)
    mean = jnp.mean(embeddings, axis=-1, keepdims=True)
    var = jnp.mean(jnp.square(embeddings - mean), axis=-1, keepdims=True)
    normed = (embeddings - mean) / jnp.sqrt(var + EPS)
    out = normed * gamma + beta
    return out

if __name__ == "__main__":
    import jax
    _d = setup_inputs()
    print(jax.jit(kernel)(*tuple(_d.values())))

</pallas_src>

<mosaic_0001>
#map = affine_map<(d0, d1) -> (0)>
module attributes {stable_mosaic.version = 14 : i64} {
  func.func @sc_k(%arg0: i32, %arg1: i32, %arg2: memref<25165824xf32, #tpu.memory_space<hbm>>, %arg3: memref<6291456xf32, #tpu.memory_space<hbm>>, %arg4: memref<768xf32, #tpu.memory_space<hbm>>, %arg5: memref<768xf32, #tpu.memory_space<hbm>>, %arg6: memref<25165824xf32, #tpu.memory_space<hbm>>, %arg7: memref<49152xf32, #tpu.memory_space<vmem>>, %arg8: memref<49152xf32, #tpu.memory_space<vmem>>, %arg9: memref<768xf32, #tpu.memory_space<vmem>>, %arg10: memref<768xf32, #tpu.memory_space<vmem>>) attributes {dimension_semantics = [#tpu.dimension_semantics<core_parallel>, #tpu.dimension_semantics<subcore_parallel>], iteration_bounds = array<i64: 2, 16>, scalar_prefetch = 0 : i64, scratch_operands = 4 : i64, tpu.core_type = #tpu.core_type<sc_vector_subcore>, window_params = [{transform_indices = #map}, {transform_indices = #map}, {transform_indices = #map}, {transform_indices = #map}, {transform_indices = #map}]} {
    %mul3A = arith.constant 2 : i32
    %mul3A_0 = arith.muli %arg1, %mul3A : i32
    %add3A = arith.addi %mul3A_0, %arg0 : i32
    %mul3A_1 = arith.constant 1024 : i32
    %mul3A_2 = arith.muli %add3A, %mul3A_1 : i32
    %mul3A_3 = arith.constant 768 : i32
    %mul3A_4 = arith.muli %mul3A_2, %mul3A_3 : i32
    %mul3A_5 = arith.constant 1024 : i32
    %mul3A_6 = arith.muli %add3A, %mul3A_5 : i32
    %jit3A = arith.constant 8192 : i32
    %eq3A = arith.constant 0 : i32
    %eq3A_7 = arith.cmpi eq, %jit3A, %eq3A : i32
    %jit3A_8 = arith.constant 1 : i32
    %select_n3A = arith.select %eq3A_7, %jit3A_8, %jit3A : i32
    %rem3A = arith.remsi %mul3A_6, %select_n3A : i32
    %ne3A = arith.constant 0 : i32
    %ne3A_9 = arith.cmpi ne, %rem3A, %ne3A : i32
    %lt3A = arith.constant 0 : i32
    %lt3A_10 = arith.cmpi slt, %rem3A, %lt3A : i32
    %lt3A_11 = arith.constant 0 : i32
    %lt3A_12 = arith.cmpi slt, %select_n3A, %lt3A_11 : i32
    %ne3A_13 = arith.xori %lt3A_10, %lt3A_12 : i1
    %and3A = arith.andi %ne3A_13, %ne3A_9 : i1
    %add3A_14 = arith.addi %rem3A, %select_n3A : i32
    %select_n3A_15 = arith.select %and3A, %add3A_14, %rem3A : i32
    %mul3A_16 = arith.constant 768 : i32
    %mul3A_17 = arith.muli %select_n3A_15, %mul3A_16 : i32
    "tpu.region"() ({
      %run_scoped3A = tpu.sem_alloc : memref<!tpu.dma_semaphore, #tpu.memory_space<semaphore_mem>>
      tpu.enqueue_dma source(%arg4 : memref<768xf32, #tpu.memory_space<hbm>>) target(%arg9 : memref<768xf32, #tpu.memory_space<vmem>>) target_semaphore(%run_scoped3A : memref<!tpu.dma_semaphore, #tpu.memory_space<semaphore_mem>>)
      tpu.wait_dma2 semaphore(%run_scoped3A : memref<!tpu.dma_semaphore, #tpu.memory_space<semaphore_mem>>) src(%arg4 : memref<768xf32, #tpu.memory_space<hbm>>) dst(%arg9 : memref<768xf32, #tpu.memory_space<vmem>>)
      tpu.yield
    }) : () -> ()
    "tpu.region"() ({
      %run_scoped3A = tpu.sem_alloc : memref<!tpu.dma_semaphore, #tpu.memory_space<semaphore_mem>>
      tpu.enqueue_dma source(%arg5 : memref<768xf32, #tpu.memory_space<hbm>>) target(%arg10 : memref<768xf32, #tpu.memory_space<vmem>>) target_semaphore(%run_scoped3A : memref<!tpu.dma_semaphore, #tpu.memory_space<semaphore_mem>>)
      tpu.wait_dma2 semaphore(%run_scoped3A : memref<!tpu.dma_semaphore, #tpu.memory_space<semaphore_mem>>) src(%arg5 : memref<768xf32, #tpu.memory_space<hbm>>) dst(%arg10 : memref<768xf32, #tpu.memory_space<vmem>>)
      tpu.yield
    }) : () -> ()
    %scan3A = arith.constant 0 : i32
    %scan3A_18 = arith.constant 0 : i32
    %scan3A_19 = arith.constant 16 : i32
    %scan3A_20 = arith.addi %scan3A_18, %scan3A_19 : i32
    %scan3A_21 = arith.constant 1 : i32
    %scan3A_22 = scf.for %scan3A_24 = %scan3A_18 to %scan3A_20 step %scan3A_21 iter_args(%scan3A_25 = %scan3A) -> (i32)  : i32 {
      %mul3A_26 = arith.constant 64 : i32
      %mul3A_27 = arith.muli %scan3A_24, %mul3A_26 : i32
      %mul3A_28 = arith.constant 768 : i32
      %mul3A_29 = arith.muli %mul3A_27, %mul3A_28 : i32
      %add3A_30 = arith.addi %mul3A_4, %mul3A_29 : i32
      %mul3A_31 = arith.constant 64 : i32
      %mul3A_32 = arith.muli %scan3A_24, %mul3A_31 : i32
      %mul3A_33 = arith.constant 768 : i32
      %mul3A_34 = arith.muli %mul3A_32, %mul3A_33 : i32
      %add3A_35 = arith.addi %mul3A_17, %mul3A_34 : i32
      "tpu.region"() ({
        %run_scoped3A = tpu.sem_alloc : memref<!tpu.dma_semaphore, #tpu.memory_space<semaphore_mem>>
        %dma_start3A = tpu.memref_slice %arg2[%add3A_30] : memref<25165824xf32, #tpu.memory_space<hbm>> -> memref<49152xf32, #tpu.memory_space<hbm>>
        %dma_start3A_44 = tpu.memref_slice %arg2[%add3A_30] : memref<25165824xf32, #tpu.memory_space<hbm>> -> memref<49152xf32, #tpu.memory_space<hbm>>
        tpu.enqueue_dma source(%dma_start3A_44 : memref<49152xf32, #tpu.memory_space<hbm>>) target(%arg7 : memref<49152xf32, #tpu.memory_space<vmem>>) target_semaphore(%run_scoped3A : memref<!tpu.dma_semaphore, #tpu.memory_space<semaphore_mem>>)
        %dma_wait3A = tpu.memref_slice %arg2[%add3A_30] : memref<25165824xf32, #tpu.memory_space<hbm>> -> memref<49152xf32, #tpu.memory_space<hbm>>
        %dma_wait3A_45 = tpu.memref_slice %arg2[%add3A_30] : memref<25165824xf32, #tpu.memory_space<hbm>> -> memref<49152xf32, #tpu.memory_space<hbm>>
        tpu.wait_dma2 semaphore(%run_scoped3A : memref<!tpu.dma_semaphore, #tpu.memory_space<semaphore_mem>>) src(%dma_wait3A_45 : memref<49152xf32, #tpu.memory_space<hbm>>) dst(%arg7 : memref<49152xf32, #tpu.memory_space<vmem>>)
        tpu.yield
      }) : () -> ()
      "tpu.region"() ({
        %run_scoped3A = tpu.sem_alloc : memref<!tpu.dma_semaphore, #tpu.memory_space<semaphore_mem>>
        %dma_start3A = tpu.memref_slice %arg3[%add3A_35] : memref<6291456xf32, #tpu.memory_space<hbm>> -> memref<49152xf32, #tpu.memory_space<hbm>>
        %dma_start3A_44 = tpu.memref_slice %arg3[%add3A_35] : memref<6291456xf32, #tpu.memory_space<hbm>> -> memref<49152xf32, #tpu.memory_space<hbm>>
        tpu.enqueue_dma source(%dma_start3A_44 : memref<49152xf32, #tpu.memory_space<hbm>>) target(%arg8 : memref<49152xf32, #tpu.memory_space<vmem>>) target_semaphore(%run_scoped3A : memref<!tpu.dma_semaphore, #tpu.memory_space<semaphore_mem>>)
        %dma_wait3A = tpu.memref_slice %arg3[%add3A_35] : memref<6291456xf32, #tpu.memory_space<hbm>> -> memref<49152xf32, #tpu.memory_space<hbm>>
        %dma_wait3A_45 = tpu.memref_slice %arg3[%add3A_35] : memref<6291456xf32, #tpu.memory_space<hbm>> -> memref<49152xf32, #tpu.memory_space<hbm>>
        tpu.wait_dma2 semaphore(%run_scoped3A : memref<!tpu.dma_semaphore, #tpu.memory_space<semaphore_mem>>) src(%dma_wait3A_45 : memref<49152xf32, #tpu.memory_space<hbm>>) dst(%arg8 : memref<49152xf32, #tpu.memory_space<vmem>>)
        tpu.yield
      }) : () -> ()
      %scan3A_36 = arith.constant 0 : i32
      %scan3A_37 = arith.constant 0 : i32
      %scan3A_38 = arith.constant 64 : i32
      %scan3A_39 = arith.addi %scan3A_37, %scan3A_38 : i32
      %scan3A_40 = arith.constant 1 : i32
      %scan3A_41 = scf.for %scan3A_44 = %scan3A_37 to %scan3A_39 step %scan3A_40 iter_args(%scan3A_45 = %scan3A_36) -> (i32)  : i32 {
        %mul3A_46 = arith.constant 768 : i32
        %mul3A_47 = arith.muli %scan3A_44, %mul3A_46 : i32
        %broadcast_in_dim3A = arith.constant 0.000000e+00 : f32
        %broadcast_in_dim3A_48 = vector.broadcast %broadcast_in_dim3A : f32 to vector<16xf32>
        %broadcast_in_dim3A_49 = arith.constant 0.000000e+00 : f32
        %broadcast_in_dim3A_50 = vector.broadcast %broadcast_in_dim3A_49 : f32 to vector<16xf32>
        %scan3A_51 = arith.constant 0 : i32
        %scan3A_52 = arith.constant 48 : i32
        %scan3A_53 = arith.addi %scan3A_51, %scan3A_52 : i32
        %scan3A_54 = arith.constant 1 : i32
        %scan3A_55:2 = scf.for %scan3A_172 = %scan3A_51 to %scan3A_53 step %scan3A_54 iter_args(%scan3A_173 = %broadcast_in_dim3A_48, %scan3A_174 = %broadcast_in_dim3A_50) -> (vector<16xf32>, vector<16xf32>)  : i32 {
          %mul3A_175 = arith.constant 16 : i32
          %mul3A_176 = arith.muli %scan3A_172, %mul3A_175 : i32
          %add3A_177 = arith.addi %mul3A_47, %mul3A_176 : i32
          %get3A = arith.index_cast %add3A_177 : i32 to index
          %get3A_178 = tpu.vector_load %arg7[%get3A] {strides = array<i32>} : memref<49152xf32, #tpu.memory_space<vmem>>, vector<16xf32>,
          %get3A_179 = vector.shape_cast %get3A_178 : vector<16xf32> to vector<16xf32>
          %mul3A_180 = arith.constant 16 : i32
          %mul3A_181 = arith.muli %scan3A_172, %mul3A_180 : i32
          %add3A_182 = arith.addi %mul3A_47, %mul3A_181 : i32
          %get3A_183 = arith.index_cast %add3A_182 : i32 to index
          %get3A_184 = tpu.vector_load %arg8[%get3A_183] {strides = array<i32>} : memref<49152xf32, #tpu.memory_space<vmem>>, vector<16xf32>,
          %get3A_185 = vector.shape_cast %get3A_184 : vector<16xf32> to vector<16xf32>
          %add3A_186 = arith.addf %get3A_179, %get3A_185 : vector<16xf32>
          %mul3A_187 = arith.constant 16 : i32
          %mul3A_188 = arith.muli %scan3A_172, %mul3A_187 : i32
          %add3A_189 = arith.addi %mul3A_47, %mul3A_188 : i32
          %swap3A = arith.index_cast %add3A_189 : i32 to index
          %swap3A_190 = tpu.vector_load %arg7[%swap3A] {strides = array<i32>} : memref<49152xf32, #tpu.memory_space<vmem>>, vector<16xf32>,
          %swap3A_191 = vector.shape_cast %swap3A_190 : vector<16xf32> to vector<16xf32>
          %swap3A_192 = vector.shape_cast %add3A_186 : vector<16xf32> to vector<16xf32>
          tpu.vector_store %arg7[%swap3A], %swap3A_192 {strides = array<i32>} : memref<49152xf32, #tpu.memory_space<vmem>>, vector<16xf32>,
          %add3A_193 = arith.addf %scan3A_173, %add3A_186 : vector<16xf32>
          %mul3A_194 = arith.mulf %add3A_186, %add3A_186 : vector<16xf32>
          %add3A_195 = arith.addf %scan3A_174, %mul3A_194 : vector<16xf32>
          scf.yield %add3A_193, %add3A_195 : vector<16xf32>, vector<16xf32>
        }
        %scan3A_56 = arith.constant 48 : i32
        %iota3A = tpu.iota {dimensions = array<i32: 0>} : vector<16xi32>
        %xor3A = arith.constant 8 : i32
        %xor3A_57 = vector.broadcast %xor3A : i32 to vector<16xi32>
        %xor3A_58 = arith.xori %iota3A, %xor3A_57 : vector<16xi32>
        %broadcast_in_dim3A_59 = vector.shape_cast %xor3A_58 : vector<16xi32> to vector<16x1xi32>
        %gather3A = vector.shape_cast %broadcast_in_dim3A_59 : vector<16x1xi32> to vector<16xi32>
        %gather3A_60 = tpu.dynamic_gather %scan3A_55#0[%gather3A] in [0] : vector<16xf32>, vector<16xi32> -> vector<16xf32>
        %add3A_61 = arith.addf %scan3A_55#0, %gather3A_60 : vector<16xf32>
        %xor3A_62 = arith.constant 4 : i32
        %xor3A_63 = vector.broadcast %xor3A_62 : i32 to vector<16xi32>
        %xor3A_64 = arith.xori %iota3A, %xor3A_63 : vector<16xi32>
        %broadcast_in_dim3A_65 = vector.shape_cast %xor3A_64 : vector<16xi32> to vector<16x1xi32>
        %gather3A_66 = vector.shape_cast %broadcast_in_dim3A_65 : vector<16x1xi32> to vector<16xi32>
        %gather3A_67 = tpu.dynamic_gather %add3A_61[%gather3A_66] in [0] : vector<16xf32>, vector<16xi32> -> vector<16xf32>
        %add3A_68 = arith.addf %add3A_61, %gather3A_67 : vector<16xf32>
        %xor3A_69 = arith.constant 2 : i32
        %xor3A_70 = vector.broadcast %xor3A_69 : i32 to vector<16xi32>
        %xor3A_71 = arith.xori %iota3A, %xor3A_70 : vector<16xi32>
        %broadcast_in_dim3A_72 = vector.shape_cast %xor3A_71 : vector<16xi32> to vector<16x1xi32>
        %gather3A_73 = vector.shape_cast %broadcast_in_dim3A_72 : vector<16x1xi32> to vector<16xi32>
        %gather3A_74 = tpu.dynamic_gather %add3A_68[%gather3A_73] in [0] : vector<16xf32>, vector<16xi32> -> vector<16xf32>
        %add3A_75 = arith.addf %add3A_68, %gather3A_74 : vector<16xf32>
        %xor3A_76 = arith.constant 1 : i32
        %xor3A_77 = vector.broadcast %xor3A_76 : i32 to vector<16xi32>
        %xor3A_78 = arith.xori %iota3A, %xor3A_77 : vector<16xi32>
        %broadcast_in_dim3A_79 = vector.shape_cast %xor3A_78 : vector<16xi32> to vector<16x1xi32>
        %gather3A_80 = vector.shape_cast %broadcast_in_dim3A_79 : vector<16x1xi32> to vector<16xi32>
        %gather3A_81 = tpu.dynamic_gather %add3A_75[%gather3A_80] in [0] : vector<16xf32>, vector<16xi32> -> vector<16xf32>
        %add3A_82 = arith.addf %add3A_75, %gather3A_81 : vector<16xf32>
        %mul3A_83 = arith.constant 0.00130208337 : f32
        %mul3A_84 = vector.broadcast %mul3A_83 : f32 to vector<16xf32>
        %mul3A_85 = arith.mulf %add3A_82, %mul3A_84 : vector<16xf32>
        %iota3A_86 = tpu.iota {dimensions = array<i32: 0>} : vector<16xi32>
        %xor3A_87 = arith.constant 8 : i32
        %xor3A_88 = vector.broadcast %xor3A_87 : i32 to vector<16xi32>
        %xor3A_89 = arith.xori %iota3A_86, %xor3A_88 : vector<16xi32>
        %broadcast_in_dim3A_90 = vector.shape_cast %xor3A_89 : vector<16xi32> to vector<16x1xi32>
        %gather3A_91 = vector.shape_cast %broadcast_in_dim3A_90 : vector<16x1xi32> to vector<16xi32>
        %gather3A_92 = tpu.dynamic_gather %scan3A_55#1[%gather3A_91] in [0] : vector<16xf32>, vector<16xi32> -> vector<16xf32>
        %add3A_93 = arith.addf %scan3A_55#1, %gather3A_92 : vector<16xf32>
        %xor3A_94 = arith.constant 4 : i32
        %xor3A_95 = vector.broadcast %xor3A_94 : i32 to vector<16xi32>
        %xor3A_96 = arith.xori %iota3A_86, %xor3A_95 : vector<16xi32>
        %broadcast_in_dim3A_97 = vector.shape_cast %xor3A_96 : vector<16xi32> to vector<16x1xi32>
        %gather3A_98 = vector.shape_cast %broadcast_in_dim3A_97 : vector<16x1xi32> to vector<16xi32>
        %gather3A_99 = tpu.dynamic_gather %add3A_93[%gather3A_98] in [0] : vector<16xf32>, vector<16xi32> -> vector<16xf32>
        %add3A_100 = arith.addf %add3A_93, %gather3A_99 : vector<16xf32>
        %xor3A_101 = arith.constant 2 : i32
        %xor3A_102 = vector.broadcast %xor3A_101 : i32 to vector<16xi32>
        %xor3A_103 = arith.xori %iota3A_86, %xor3A_102 : vector<16xi32>
        %broadcast_in_dim3A_104 = vector.shape_cast %xor3A_103 : vector<16xi32> to vector<16x1xi32>
        %gather3A_105 = vector.shape_cast %broadcast_in_dim3A_104 : vector<16x1xi32> to vector<16xi32>
        %gather3A_106 = tpu.dynamic_gather %add3A_100[%gather3A_105] in [0] : vector<16xf32>, vector<16xi32> -> vector<16xf32>
        %add3A_107 = arith.addf %add3A_100, %gather3A_106 : vector<16xf32>
        %xor3A_108 = arith.constant 1 : i32
        %xor3A_109 = vector.broadcast %xor3A_108 : i32 to vector<16xi32>
        %xor3A_110 = arith.xori %iota3A_86, %xor3A_109 : vector<16xi32>
        %broadcast_in_dim3A_111 = vector.shape_cast %xor3A_110 : vector<16xi32> to vector<16x1xi32>
        %gather3A_112 = vector.shape_cast %broadcast_in_dim3A_111 : vector<16x1xi32> to vector<16xi32>
        %gather3A_113 = tpu.dynamic_gather %add3A_107[%gather3A_112] in [0] : vector<16xf32>, vector<16xi32> -> vector<16xf32>
        %add3A_114 = arith.addf %add3A_107, %gather3A_113 : vector<16xf32>
        %mul3A_115 = arith.constant 0.00130208337 : f32
        %mul3A_116 = vector.broadcast %mul3A_115 : f32 to vector<16xf32>
        %mul3A_117 = arith.mulf %add3A_114, %mul3A_116 : vector<16xf32>
        %mul3A_118 = arith.mulf %mul3A_85, %mul3A_85 : vector<16xf32>
        %sub3A = arith.subf %mul3A_117, %mul3A_118 : vector<16xf32>
        %add3A_119 = arith.constant 9.99999996E-13 : f32
        %add3A_120 = vector.broadcast %add3A_119 : f32 to vector<16xf32>
        %add3A_121 = arith.addf %sub3A, %add3A_120 : vector<16xf32>
        %bitcast_convert_type3A = tpu.bitcast %add3A_121 : vector<16xf32> -> vector<16xi32>
        %shift_right_arithmetic3A = arith.constant 1 : i32
        %shift_right_arithmetic3A_122 = vector.broadcast %shift_right_arithmetic3A : i32 to vector<16xi32>
        %shift_right_arithmetic3A_123 = arith.shrsi %bitcast_convert_type3A, %shift_right_arithmetic3A_122 : vector<16xi32>
        %sub3A_124 = arith.constant 1597463007 : i32
        %sub3A_125 = vector.broadcast %sub3A_124 : i32 to vector<16xi32>
        %sub3A_126 = arith.subi %sub3A_125, %shift_right_arithmetic3A_123 : vector<16xi32>
        %bitcast_convert_type3A_127 = tpu.bitcast %sub3A_126 : vector<16xi32> -> vector<16xf32>
        %mul3A_128 = arith.constant 5.000000e-01 : f32
        %mul3A_129 = vector.broadcast %mul3A_128 : f32 to vector<16xf32>
        %mul3A_130 = arith.mulf %mul3A_129, %add3A_121 : vector<16xf32>
        %mul3A_131 = arith.mulf %mul3A_130, %bitcast_convert_type3A_127 : vector<16xf32>
        %mul3A_132 = arith.mulf %mul3A_131, %bitcast_convert_type3A_127 : vector<16xf32>
        %sub3A_133 = arith.constant 1.500000e+00 : f32
        %sub3A_134 = vector.broadcast %sub3A_133 : f32 to vector<16xf32>
        %sub3A_135 = arith.subf %sub3A_134, %mul3A_132 : vector<16xf32>
        %mul3A_136 = arith.mulf %bitcast_convert_type3A_127, %sub3A_135 : vector<16xf32>
        %mul3A_137 = arith.constant 5.000000e-01 : f32
        %mul3A_138 = vector.broadcast %mul3A_137 : f32 to vector<16xf32>
        %mul3A_139 = arith.mulf %mul3A_138, %add3A_121 : vector<16xf32>
        %mul3A_140 = arith.mulf %mul3A_139, %mul3A_136 : vector<16xf32>
        %mul3A_141 = arith.mulf %mul3A_140, %mul3A_136 : vector<16xf32>
        %sub3A_142 = arith.constant 1.500000e+00 : f32
        %sub3A_143 = vector.broadcast %sub3A_142 : f32 to vector<16xf32>
        %sub3A_144 = arith.subf %sub3A_143, %mul3A_141 : vector<16xf32>
        %mul3A_145 = arith.mulf %mul3A_136, %sub3A_144 : vector<16xf32>
        %mul3A_146 = arith.constant 5.000000e-01 : f32
        %mul3A_147 = vector.broadcast %mul3A_146 : f32 to vector<16xf32>
        %mul3A_148 = arith.mulf %mul3A_147, %add3A_121 : vector<16xf32>
        %mul3A_149 = arith.mulf %mul3A_148, %mul3A_145 : vector<16xf32>
        %mul3A_150 = arith.mulf %mul3A_149, %mul3A_145 : vector<16xf32>
        %sub3A_151 = arith.constant 1.500000e+00 : f32
        %sub3A_152 = vector.broadcast %sub3A_151 : f32 to vector<16xf32>
        %sub3A_153 = arith.subf %sub3A_152, %mul3A_150 : vector<16xf32>
        %mul3A_154 = arith.mulf %mul3A_145, %sub3A_153 : vector<16xf32>
        %mul3A_155 = arith.constant 5.000000e-01 : f32
        %mul3A_156 = vector.broadcast %mul3A_155 : f32 to vector<16xf32>
        %mul3A_157 = arith.mulf %mul3A_156, %add3A_121 : vector<16xf32>
        %mul3A_158 = arith.mulf %mul3A_157, %mul3A_154 : vector<16xf32>
        %mul3A_159 = arith.mulf %mul3A_158, %mul3A_154 : vector<16xf32>
        %sub3A_160 = arith.constant 1.500000e+00 : f32
        %sub3A_161 = vector.broadcast %sub3A_160 : f32 to vector<16xf32>
        %sub3A_162 = arith.subf %sub3A_161, %mul3A_159 : vector<16xf32>
        %mul3A_163 = arith.mulf %mul3A_154, %sub3A_162 : vector<16xf32>
        %scan3A_164 = arith.constant 0 : i32
        %scan3A_165 = arith.constant 0 : i32
        %scan3A_166 = arith.constant 48 : i32
        %scan3A_167 = arith.addi %scan3A_165, %scan3A_166 : i32
        %scan3A_168 = arith.constant 1 : i32
        %scan3A_169 = scf.for %scan3A_172 = %scan3A_165 to %scan3A_167 step %scan3A_168 iter_args(%scan3A_173 = %scan3A_164) -> (i32)  : i32 {
          %mul3A_174 = arith.constant 16 : i32
          %mul3A_175 = arith.muli %scan3A_172, %mul3A_174 : i32
          %add3A_176 = arith.addi %mul3A_47, %mul3A_175 : i32
          %mul3A_177 = arith.constant 16 : i32
          %mul3A_178 = arith.muli %scan3A_172, %mul3A_177 : i32
          %get3A = arith.index_cast %add3A_176 : i32 to index
          %get3A_179 = tpu.vector_load %arg7[%get3A] {strides = array<i32>} : memref<49152xf32, #tpu.memory_space<vmem>>, vector<16xf32>,
          %get3A_180 = vector.shape_cast %get3A_179 : vector<16xf32> to vector<16xf32>
          %sub3A_181 = arith.subf %get3A_180, %mul3A_85 : vector<16xf32>
          %mul3A_182 = arith.mulf %sub3A_181, %mul3A_163 : vector<16xf32>
          %get3A_183 = arith.index_cast %mul3A_178 : i32 to index
          %get3A_184 = tpu.vector_load %arg9[%get3A_183] {strides = array<i32>} : memref<768xf32, #tpu.memory_space<vmem>>, vector<16xf32>,
          %get3A_185 = vector.shape_cast %get3A_184 : vector<16xf32> to vector<16xf32>
          %mul3A_186 = arith.mulf %mul3A_182, %get3A_185 : vector<16xf32>
          %get3A_187 = arith.index_cast %mul3A_178 : i32 to index
          %get3A_188 = tpu.vector_load %arg10[%get3A_187] {strides = array<i32>} : memref<768xf32, #tpu.memory_space<vmem>>, vector<16xf32>,
          %get3A_189 = vector.shape_cast %get3A_188 : vector<16xf32> to vector<16xf32>
          %add3A_190 = arith.addf %mul3A_186, %get3A_189 : vector<16xf32>
          %swap3A = arith.index_cast %add3A_176 : i32 to index
          %swap3A_191 = tpu.vector_load %arg7[%swap3A] {strides = array<i32>} : memref<49152xf32, #tpu.memory_space<vmem>>, vector<16xf32>,
          %swap3A_192 = vector.shape_cast %swap3A_191 : vector<16xf32> to vector<16xf32>
          %swap3A_193 = vector.shape_cast %add3A_190 : vector<16xf32> to vector<16xf32>
          tpu.vector_store %arg7[%swap3A], %swap3A_193 {strides = array<i32>} : memref<49152xf32, #tpu.memory_space<vmem>>, vector<16xf32>,
          %scan3A_194 = arith.constant 0 : i32
          scf.yield %scan3A_194 : i32
        }
        %scan3A_170 = arith.constant 48 : i32
        %scan3A_171 = arith.constant 0 : i32
        scf.yield %scan3A_171 : i32
      }
      %scan3A_42 = arith.constant 64 : i32
      "tpu.region"() ({
        %run_scoped3A = tpu.sem_alloc : memref<!tpu.dma_semaphore, #tpu.memory_space<semaphore_mem>>
        %dma_start3A = tpu.memref_slice %arg6[%add3A_30] : memref<25165824xf32, #tpu.memory_space<hbm>> -> memref<49152xf32, #tpu.memory_space<hbm>>
        %dma_start3A_44 = tpu.memref_slice %arg6[%add3A_30] : memref<25165824xf32, #tpu.memory_space<hbm>> -> memref<49152xf32, #tpu.memory_space<hbm>>
        tpu.enqueue_dma source(%arg7 : memref<49152xf32, #tpu.memory_space<vmem>>) target(%dma_start3A_44 : memref<49152xf32, #tpu.memory_space<hbm>>) target_semaphore(%run_scoped3A : memref<!tpu.dma_semaphore, #tpu.memory_space<semaphore_mem>>)
        %dma_wait3A = tpu.memref_slice %arg6[%add3A_30] : memref<25165824xf32, #tpu.memory_space<hbm>> -> memref<49152xf32, #tpu.memory_space<hbm>>
        %dma_wait3A_45 = tpu.memref_slice %arg6[%add3A_30] : memref<25165824xf32, #tpu.memory_space<hbm>> -> memref<49152xf32, #tpu.memory_space<hbm>>
        tpu.wait_dma2 semaphore(%run_scoped3A : memref<!tpu.dma_semaphore, #tpu.memory_space<semaphore_mem>>) src(%arg7 : memref<49152xf32, #tpu.memory_space<vmem>>) dst(%dma_wait3A_45 : memref<49152xf32, #tpu.memory_space<hbm>>)
        tpu.yield
      }) : () -> ()
      %scan3A_43 = arith.constant 0 : i32
      scf.yield %scan3A_43 : i32
    }
    %scan3A_23 = arith.constant 16 : i32
    return
  }
}

</mosaic_0001>

<sc_bundles>
// kernel: kernel.3.cloned.1.call-start
scs
__scs_entry_jumppad:
0x0: {  	(pc) =	sbr.rel $0x88, $3  }
0x1: {  	(tag) =	ssettag $0x0;
	lr =	simm.s32 $0x1  }
0x2: {  	[smem:$0x3F9D] =	sst lr;
	_ =	strace $0xD0000000  }
0x3: {  	_ = 	snop  }
0x4: {  	_ = 	snop  }
0x5: {  	_ = 	snop  }
0x6: {  	_ = 	snop  }
0x7: {  	_ = 	snop  }
__scs_overlays_trampoline_lowered:
0x8: {  	[smem:$0x3FAC] =	sst s0  }
0x9: {  	[smem:$0x3FAD] =	sst s1  }
0xa: {  	[smem:$0x3FAE] =	sst s2  }
0xb: {  	[smem:$0x3FAF] =	sst s3  }
0xc: {  	[smem:$0x3FB0] =	sst s4  }
0xd: {  	[smem:$0x3FB1] =	sst s5  }
0xe: {  	[smem:$0x3FB2] =	sst s6  }
0xf: {  	[smem:$0x3FB3] =	sst s7  }
0x10: {  	[smem:$0x3FB4] =	sst s8  }
0x11: {  	[smem:$0x3FB5] =	sst s9;
	s0 =	simm.s32 @!p0 $0x0  }
0x12: {  	s1 =	sld [smem:$0x3F9B];
	s0 =	simm.s32 @p0 $0x1  }
0x13: {  	[smem:$0x3FB6] =	sst s0;
	s0 =	simm.s32 @!p1 $0x0  }
0x14: {  	s2 =	sld [smem:$0x3F9A];
	s0 =	simm.s32 @p1 $0x1  }
0x15: {  	[smem:$0x3FB7] =	sst s0;
	s0 =	simm.s32 @!p2 $0x0  }
0x16: {  	s3 =	sld [smem:$0x3FDB];
	s0 =	simm.s32 @p2 $0x1  }
0x17: {  	s4 =	simm.s32 $0x1BF5;
	[smem:$0x3FB9] =	sst s0  }
0x18: {  	s0 =	sld [smem:$0x3F9C];
	_ =	swait.ge [sflag:s4], $0x0  }
0x19: {  	s7 =	sld [smem:$0x3F9D]  }
0x1a: {  	s8 =	sadd.s32 $0xFFFFE003, lr  }
0x1b: {  	s9 =	sadd.s32 $0xFFFFFEF7, lr;
	s5 =	simm.s32 $0xFFFFFFFF;
	p2 =	slt.u32 s8, $0xFFFFF086  }
0x1c: {  	p1 =	slt.u32 s9, $0xF7A;
	s5 =	simm.s32 @!p2 $0x0  }
0x1d: {  	s5 =	simm.s32 @p1 $0x1;
	p0 =	seq.s32 s7, s2  }
0x1e: {  	s7 =	smul.u32 @!p0 $0xF7A, s2;
	p2 =	seq.s32 @!p0 s5, $0x0  }
0x1f: {  	s9 =	smul.u32 $0xF7A, s1;
	s8 =	simm.s32 @!p0 $0x1BF5;
	p2 =	por !p2, p0  }
0x20: {  	[sflag:s8] =	ssyncset.s32 @!p0 $0xFFFFF086;
	s6 =	sadd.s32 @!p0 s3, s7;
	s7 =	simm.s32 @!p0 $0x108  }
0x21: {  	s3 =	sadd.s32 s3, s9;
	s6 =	sadd.s32 @!p0 $0x88, s6;
	s7 =	simm.s32 @p2 $0x1082  }
0x22: {  	[simem:s7], [sflag:s8] =	dma.local @!p0 [hbm:s6], $0xF7A  }
0x23: {  	s9 =	sor.u32 $0xD0000000, s2;
	s6 =	simm.s32 $0x108;
	_ =	swait.ge @!p0 [sflag:s8], $0x0  }
0x24: {  	s3 =	sadd.s32 $0x88, s3;
	s6 =	simm.s32 @!p1 $0x1082;
	[sflag:s4] =	ssyncset.s32 $0xFFFFF086  }
0x25: {  	[simem:s6], [sflag:s4] =	dma.local [hbm:s3], $0xF7A  }
0x26: {  	[smem:$0x3F9D] =	sst s1;
	(tag) =	ssettag s2;
	_ =	strace s9  }
0x27: {  	s1 =	sld [smem:$0x3FAD]  }
0x28: {  	s2 =	sld [smem:$0x3FAE]  }
0x29: {  	s4 =	sld [smem:$0x3FB0]  }
0x2a: {  	p0 =	seq.s32 s5, $0x0;
	s5 =	sld [smem:$0x3FB1]  }
0x2b: {  	s6 =	sld [smem:$0x3FB2]  }
0x2c: {  	s7 =	sld [smem:$0x3FB3]  }
0x2d: {  	s3 =	simm.s32 $0x108;
	s8 =	sld [smem:$0x3FB4]  }
0x2e: {  	s3 =	simm.s32 @!p0 $0x1082;
	s9 =	sld [smem:$0x3FB5]  }
0x2f: {  	lr =	sadd.s32 s0, s3;
	s0 =	sld [smem:$0x3FAC]  }
0x30: {  	s3 =	sld [smem:$0x3FAF]  }
0x31: {  	[smem:$0x3FB8] =	sst s10  }
0x32: {  	s10 =	sld [smem:$0x3FB6];
	_ =	sdelay $0x3  }
0x33: {  	p0 =	seq.s32 s10, $0x1;
	s10 =	sld [smem:$0x3FB8];
	_ =	sdelay $0x3  }
0x34: {  	[smem:$0x3FB8] =	sst s10  }
0x35: {  	s10 =	sld [smem:$0x3FB7];
	_ =	sdelay $0x3  }
0x36: {  	p1 =	seq.s32 s10, $0x1;
	s10 =	sld [smem:$0x3FB8];
	_ =	sdelay $0x3  }
0x37: {  	[smem:$0x3FB8] =	sst s10  }
0x38: {  	s10 =	sld [smem:$0x3FB9]  }
0x39: {  	_ = 	snop;
	(pc) =	sbr.ind lr, $3  }
0x3a: {  	_ = 	snop  }
0x3b: {  	_ = 	snop  }
0x3c: {  	p2 =	seq.s32 s10, $0x1;
	s10 =	sld [smem:$0x3FB8]  }
0x3d: {  	_ =	shalt  }
0x3e: {  	_ =	shalt  }
0x3f: {  	_ =	shalt  }
0x40: {  	_ =	shalt  }
0x41: {  	_ =	shalt  }
0x42: {  	_ =	shalt  }
0x43: {  	_ =	shalt  }
0x44: {  	_ =	shalt  }
0x45: {  	_ =	shalt  }
0x46: {  	_ =	shalt  }
0x47: {  	_ =	shalt  }
0x48: {  	_ =	shalt  }
0x49: {  	_ =	shalt  }
0x4a: {  	_ =	shalt  }
0x4b: {  	_ =	shalt  }
0x4c: {  	_ =	shalt  }
0x4d: {  	_ =	shalt  }
0x4e: {  	_ =	shalt  }
0x4f: {  	_ =	shalt  }
0x50: {  	_ =	shalt  }
0x51: {  	_ =	shalt  }
0x52: {  	_ =	shalt  }
0x53: {  	_ =	shalt  }
0x54: {  	_ =	shalt  }
0x55: {  	_ =	shalt  }
0x56: {  	_ =	shalt  }
0x57: {  	_ =	shalt  }
0x58: {  	_ =	shalt  }
0x59: {  	_ =	shalt  }
0x5a: {  	_ =	shalt  }
0x5b: {  	_ =	shalt  }
0x5c: {  	_ =	shalt  }
0x5d: {  	_ =	shalt  }
0x5e: {  	_ =	shalt  }
0x5f: {  	_ =	shalt  }
0x60: {  	_ =	shalt  }
0x61: {  	_ =	shalt  }
0x62: {  	_ =	shalt  }
0x63: {  	_ =	shalt  }
0x64: {  	_ =	shalt  }
0x65: {  	_ =	shalt  }
0x66: {  	_ =	shalt  }
0x67: {  	_ =	shalt  }
0x68: {  	_ =	shalt  }
0x69: {  	_ =	shalt  }
0x6a: {  	_ =	shalt  }
0x6b: {  	_ =	shalt  }
0x6c: {  	_ =	shalt  }
0x6d: {  	_ =	shalt  }
0x6e: {  	_ =	shalt  }
0x6f: {  	_ =	shalt  }
0x70: {  	_ =	shalt  }
0x71: {  	_ =	shalt  }
0x72: {  	_ =	shalt  }
0x73: {  	_ =	shalt  }
0x74: {  	_ =	shalt  }
0x75: {  	_ =	shalt  }
0x76: {  	_ =	shalt  }
0x77: {  	_ =	shalt  }
0x78: {  	_ =	shalt  }
0x79: {  	_ =	shalt  }
0x7a: {  	_ =	shalt  }
0x7b: {  	_ =	shalt  }
0x7c: {  	_ =	shalt  }
0x7d: {  	_ =	shalt  }
0x7e: {  	_ =	shalt  }
0x7f: {  	_ =	shalt  }
0x80: {  	_ =	shalt  }
0x81: {  	_ =	shalt  }
0x82: {  	_ =	shalt  }
0x83: {  	_ =	shalt  }
0x84: {  	_ =	shalt  }
0x85: {  	_ =	shalt  }
0x86: {  	_ =	shalt  }
0x87: {  	_ =	shalt  }
.Lfunc_end0:
.L_simem_size_0:
called_computation_lowered:
.L_overlay_start_0:
0x88: {  	s2 =	sld [smem:$0x3FD9]  }
0x89: {  	s3 =	sld [smem:$0x3FFE];
	_ =	sdelay $0x1  }
0x8a: {  	s1 =	srdreg.scid  }
0x8b: {  	s0 =	sand.u32 $0x1, s1  }
0x8c: {  	s17 =	sshll.u32 s0, $0xA;
	s2 =	sadd.s32 s3, s2  }
0x8d: {  	s2 =	sadd.s32 s2, s17  }
0x8e: {  	[smem:$0x3FC4] =	sst s2  }
0x8f: {  	_ = 	snop  }
0x90: {  	s2 =	sld [smem:$0x3FC7]  }
0x91: {  	s18 =	sld [smem:$0x3FC6]  }
0x92: {  	s4 =	sld [smem:$0x3FD0];
	(tm) =	ssettm $0x1  }
0x93: {  	s5 =	sld [smem:$0x3FFB];
	_ =	sdelay $0x3  }
0x94: {  	_ =	strace s5  }
0x95: {  	s5 =	sld [smem:$0x3FFC];
	_ =	sdelay $0x3  }
0x96: {  	_ =	strace s5  }
0x97: {  	s5 =	sld [smem:$0x3FFD];
	_ =	sdelay $0x3  }
0x98: {  	_ =	strace s5  }
0x99: {  	_ =	strace $0x8FFFFFFF  }
0x9a: {  	s19 =	sld [smem:$0x3FDB];
	_ =	sdelay $0x1  }
0x9b: {  	s6 =	simm.s32 $_scs_section_size  }
0x9c: {  	s7 =	simm.s32 $_size__tile_overlayer_lowered;
	s8 =	simm.s32 $_tile_overlayer_lowered  }
0x9d: {  	s22 =	simm.s32 $0x1BFF;
	s21 =	sshll.u32 s8, $0x1;
	s5 =	sadd.s32 s6, s19  }
0x9e: {  	s9 =	simm.s32 $0x0;
	s20 =	sshll.u32 s7, $0x1;
	s7 =	sadd.s32 s21, s5  }
0x9f: {  	[timem:s9], [sflag:s22] =	dma.local [hbm:s7], s20  }
0xa0: {  	_ =	swait.ge [sflag:s22], s20  }
0xa1: {  	s6 =	ssub.s32 $0x0, s20;
	[sflag:s22] =	ssyncset.done $0x0  }
0xa2: {  	[sflag:s22] =	ssyncadd.s32 s6;
	_ =	sdelay $0x1  }
0xa3: {  	s23 =	simm.s32 $0x1B8B  }
0xa4: {  	_ =	swait.ge [sflag:s23], $0x1  }
0xa5: {  	[sflag:s23] =	ssyncset.done $0x0  }
0xa6: {  	s25 =	simm.s32 $0x1B8E;
	s24 =	sld [smem:$0x3FFE];
	[sflag:s23] =	ssyncadd.s32 $0xFFFFFFFF  }
0xa7: {  	s26 =	simm.s32 $execute0_lowered;
	[smem:$0x3FD2] =	sst s25  }
0xa8: {  	s7 =	sshll.u32 s26, $0x1;
	_ =	strace $0x80000046;
	[dreg:$0x1] =	wrdreg $0xFFFFFFFF  }
0xa9: {  	s28 =	simm.s32 $_size_execute0_lowered;
	s5 =	sadd.s32 s5, s7;
	[dreg:$0x0] =	wrdreg $0x0  }
0xaa: {  	s7 =	sshll.u32 s28, $0x1;
	[dreg:$0x2] =	wrdreg s5  }
0xab: {  	[dreg:$0x3] =	wrdreg s7  }
0xac: {  	[dreg:$0x4] =	wrdreg $0xC0  }
0xad: {  	_ =	task [dreg:s9], $0x5FFFF  }
0xae: {  	[dreg:$0x1] =	wrdreg $0xFFFFFFFF  }
0xaf: {  	[dreg:$0x0] =	wrdreg $0x60  }
0xb0: {  	[dreg:$0x2] =	wrdreg s4  }
0xb1: {  	[dreg:$0x3] =	wrdreg s24  }
0xb2: {  	[dreg:$0x4] =	wrdreg s2  }
0xb3: {  	[dreg:$0x5] =	wrdreg s18  }
0xb4: {  	[dreg:$0x6] =	wrdreg $0x9  }
0xb5: {  	_ =	task.clear_ibuf [dreg:s9], $0x7FFFF;
	_ =	strace $0x90000046  }
0xb6: {  	s29 =	simm.s32 $0x9;
	_ =	strace $0x80000048  }
0xb7: {  	_ =	swait.ge [sflag:s29], $0x1  }
0xb8: {  	[sflag:s29] =	ssyncadd.s32 $0xFFFFFFFF  }
0xb9: {  	_ =	strace $0x90000048  }
0xba: {  	_ =	sfence  }
0xbb: {  	s30 =	sld [smem:$0x0];
	_ =	sdelay $0x2  }
0xbc: {  	s31 =	sshll.u32 s1, $0xD;
	s1 =	sshrl.u32 s1, $0x2  }
0xbd: {  	s3 =	sand.u32 $0x4000, s31;
	s1 =	sadd.s32 s1, s30  }
0xbe: {  	s0 =	sor.u32 s3, s0;
	s1 =	sshll.u32 s1, $0x11  }
0xbf: {  	s0 =	sor.u32 s1, s0  }
0xc0: {  	s0 =	sadd.s32 $0x8F2B, s0  }
0xc1: {  	[sflag:s0] =	ssyncadd.remote.s32 $0x1  }
0xc2: {  	_ =	sfence.sel $0xFFFF  }
0xc3: {  	[dreg:$0x0] =	wrdreg $0xFFFFFFFF;
	(pc) =	sbr.abs _section_cstart, $3  }
0xc4: {  	[dreg:$0x1] =	wrdreg $0xFFFFFFFF  }
0xc5: {  	_ =	task.clear_ibuf [dreg:s9], $0x2FFFF;
	_ =	strace $0x9FFFFFFF  }
0xc6: {  	(tm) =	ssettm $0x7FFFFFFF  }
0xc7: {  	_ =	shalt  }
tec
execute0_lowered:
.L_overlay_start_1:
0x0: {  	(tag) =	ssettag $0x1  }
0x1: {  	s0 =	rddreg [dreg:$0x0]  }
0x2: {  	v0 =	vimm.s32 $0xFEDCBA98;
	s8 =	rddreg [dreg:$0x1];
	v1 =	vimm.s32 $0x76543210  }
0x3: {  	s1 =	rddreg [dreg:$0x2];
	v2 =	vimm.s32 $0xBA98FEDC;
	v3 =	vimm.s32 $0x32107654;
	v4 =	vimm.s32 $0xDCFE98BA  }
0x4: {  	s3 =	rddreg [dreg:$0x3];
	v5 =	vimm.s32 $0x54761032;
	v6 =	vimm.s32 $0xEFCDAB89;
	v7 =	vimm.s32 $0x67452301  }
0x5: {  	s2 =	rddreg [dreg:$0x4];
	v0 =	vunpack.c.l.s4.s8 v0;
	v1 =	vunpack.c.l.s4.s8 v1;
	v2 =	vunpack.c.l.s4.s8 v2  }
0x6: {  	s5 =	simm.s32 $0x0;
	s6 =	srdreg.scid;
	s4 =	stileid.u32;
	v3 =	vunpack.c.l.s4.s8 v3;
	v4 =	vunpack.c.l.s4.s8 v4;
	v5 =	vunpack.c.l.s4.s8 v5  }
0x7: {  	s13 =	simm.s32 $0x18300;
	s14 =	simm.s32 $0xC000;
	s15 =	simm.s32 $0x0;
	v6 =	vunpack.c.l.s4.s8 v6;
	v7 =	vunpack.c.l.s4.s8 v7;
	v0 =	vunpack.c.0.s8.s32 v0  }
0x8: {  	s18 =	simm.s32 $0x0;
	[smem:$0x7FF] =	sst s5;
	s7 =	sand.u32 $0x1, s6;
	v2 =	vunpack.c.0.s8.s32 v2;
	v3 =	vunpack.c.0.s8.s32 v3;
	v4 =	vunpack.c.0.s8.s32 v4  }
0x9: {  	s30 =	sshll.u32 s4, $0x1;
	s6 =	sadd.s32 $0x400, s8;
	s8 =	sadd.s32 $0xC0400, s8;
	v5 =	vunpack.c.0.s8.s32 v5;
	v6 =	vunpack.c.0.s8.s32 v6;
	v7 =	vunpack.c.0.s8.s32 v7  }
0xa: {  	_ =	strace $0x80000047;
	s9 =	sor.u32 s7, s30;
	s10 =	ssub.s32 $0x2, s7;
	v1 =	vunpack.c.0.s8.s32 v1;
	v2 =	vcombine.low v3, v2  }
0xb: {  	s11 =	sshll.u32 s9, $0xA;
	s12 =	sshrl.u32 s10, $0x1;
	s7 =	smul.u32 $0xC0000, s9;
	v3 =	vcombine.low v5, v4;
	v4 =	vcombine.low v7, v6;
	v0 =	vand.u32 $0xF, v0  }
0xc: {  	s31 =	sand.u32 $0x1C00, s11;
	s10 =	ssub.s32 s10, s12;
	s11 =	simm.s32 $0x18000;
	v0 =	vcombine.low v0, v1  }
0xd: {  	s12 =	simm.s32 $0x1;
	s9 =	smul.u32 $0x300, s31;
	s10 =	smax.u32 s10, $0x1;
	v1 =	vand.u32 $0xF, v2;
	v2 =	vand.u32 $0xF, v3;
	v3 =	vand.u32 $0xF, v4  }
.LBB2_1:
0xe: {  	[tilespmem:s11], [sflag:$0x1] =	stream.linear.gather [hbm4b:s1+s5], $0x300, $0x38;
	[tilespmem:$0x18600] =	vst v63  }
0xf: {  	_ =	swait.ge [sflag:s12], $0x300  }
0x10: {  	[sflag:s12] =	ssyncset.done $0x0  }
0x11: {  	[sflag:s12] =	ssyncadd.s32 $0xFFFFFD00  }
0x12: {  	[tilespmem:s13], [sflag:$0x1] =	stream.linear.gather [hbm4b:s3+s5], $0x300, $0x38;
	[tilespmem:$0x18600] =	vst v63  }
0x13: {  	_ =	swait.ge [sflag:s12], $0x300  }
0x14: {  	[sflag:s12] =	ssyncset.done $0x0  }
0x15: {  	s16 =	simm.s32 $0x0;
	[sflag:s12] =	ssyncadd.s32 $0xFFFFFD00  }
.LBB2_2:
0x16: {  	s19 =	smul.u32 $0xC000, s16;
	_ =	sdelay $0x1  }
0x17: {  	s17 =	sadd.s32 s7, s19  }
0x18: {  	s17 =	sshrl.u32 s17, $0x3  }
0x19: {  	s20 =	sadd.s32 s0, s17  }
0x1a: {  	[tilespmem:s18], [sflag:$0x1] =	stream.linear.gather [hbm4b:s20+s18], $0xC000, $0x38;
	[tilespmem:$0x18600] =	vst v63  }
0x1b: {  	s19 =	sadd.s32 s9, s19;
	_ =	swait.ge [sflag:s12], $0xC000  }
0x1c: {  	s19 =	sshrl.u32 s19, $0x3;
	[sflag:s12] =	ssyncset.done $0x0  }
0x1d: {  	s19 =	sadd.s32 s6, s19;
	[sflag:s12] =	ssyncadd.s32 $0xFFFF4000  }
0x1e: {  	[tilespmem:s14], [sflag:$0x1] =	stream.linear.gather [hbm4b:s19+s18], $0xC000, $0x38;
	[tilespmem:$0x18600] =	vst v63  }
0x1f: {  	_ =	swait.ge [sflag:s12], $0xC000  }
0x20: {  	[sflag:s12] =	ssyncset.done $0x0  }
0x21: {  	s20 =	simm.s32 $0x0;
	s19 =	simm.s32 $0x0;
	[sflag:s12] =	ssyncadd.s32 $0xFFFF4000  }
.LBB2_3:
0x22: {  	s21 =	sadd.s32 $0x0, s19  }
0x23: {  	s22 =	sand.u32 $0x70, s18;
	s21 =	sand.u32 $0x1FF80, s21  }
0x24: {  	s21 =	sor.u32 s22, s21  }
0x25: {  	v6 =	vld [tilespmem:s21+$0xC000]  }
0x26: {  	v7 =	vld [tilespmem:s21+$0x0];
	_ =	sdelay $0x2  }
0x27: {  	v4 =	vimm.f32 $0.0e+00;
	s23 =	simm.s32 $0x20;
	v5 =	vimm.f32 $0.0e+00;
	s22 =	simm.s32 $0x10  }
.LBB2_4:
0x28: {  	p0 =	sne.s32 s23, $0x2F0;
	s24 =	sadd.s32 s22, s19  }
0x29: {  	s25 =	sand.u32 $0x70, s22;
	s22 =	smov.u32 s23;
	s24 =	sand.u32 $0x1FF80, s24;
	v7 =	vadd.f32 v6, v7  }
0x2a: {  	s24 =	sor.u32 s25, s24  }
.Ltmp0:
0x2b: {  	v6 =	vld [tilespmem:s24+$0xC000];
	[tilespmem:s21+$0x0] =	vst v7;
	v4 =	vadd.f32 v7, v4;
	v8 =	vmul.f32 v7, v7;
	s21 =	smov.u32 s24;
	(pc) =	sbr.rel @p0 .LBB2_4-.Ltmp0, $3  }
0x2c: {  	v7 =	vld [tilespmem:s21+$0x0]  }
0x2d: {  	v5 =	vadd.f32 v8, v5;
	_ =	sdelay $0x1  }
0x2e: {  	s23 =	sadd.s32 $0x10, s23  }
0x2f: {  	s23 =	sadd.s32 s22, s19  }
0x30: {  	s29 =	sand.u32 $0x70, s22;
	s23 =	sand.u32 $0x1FF80, s23;
	v6 =	vadd.f32 v6, v7  }
0x31: {  	s22 =	sor.u32 s29, s23  }
0x32: {  	v7 =	vld [tilespmem:s22+$0xC000];
	[tilespmem:s21+$0x0] =	vst v6  }
0x33: {  	v8 =	vld [tilespmem:s22+$0x0];
	_ =	sdelay $0x4  }
0x34: {  	v4 =	vadd.f32 v6, v4;
	v6 =	vmul.f32 v6, v6;
	v7 =	vadd.f32 v7, v8;
	_ =	sdelay $0x1  }
0x35: {  	v5 =	vadd.f32 v6, v5;
	v4 =	vadd.f32 v7, v4;
	v6 =	vmul.f32 v7, v7;
	_ =	sdelay $0x1  }
0x36: {  	v5 =	vadd.f32 v6, v5;
	v6 =	vperm.xlane v4, v0;
	_ =	sdelay $0x1  }
0x37: {  	v4 =	vadd.f32 v6, v4;
	v6 =	vperm.xlane v5, v0;
	_ =	sdelay $0x1  }
0x38: {  	v8 =	vperm.xlane v4, v1;
	v5 =	vadd.f32 v6, v5;
	_ =	sdelay $0x1  }
0x39: {  	v4 =	vadd.f32 v8, v4;
	v6 =	vperm.xlane v5, v1;
	_ =	sdelay $0x1  }
0x3a: {  	v8 =	vperm.xlane v4, v2;
	v5 =	vadd.f32 v6, v5;
	_ =	sdelay $0x1  }
0x3b: {  	v4 =	vadd.f32 v8, v4;
	v6 =	vperm.xlane v5, v2;
	_ =	sdelay $0x1  }
0x3c: {  	v8 =	vperm.xlane v4, v3;
	v5 =	vadd.f32 v6, v5;
	_ =	sdelay $0x1  }
0x3d: {  	v4 =	vadd.f32 v8, v4;
	v6 =	vperm.xlane v5, v3;
	_ =	sdelay $0x1  }
0x3e: {  	v4 =	vmul.f32 $1.302083370e-03, v4;
	v5 =	vadd.f32 v6, v5;
	_ =	sdelay $0x1  }
0x3f: {  	v5 =	vmul.f32 $1.302083370e-03, v5;
	v6 =	vmul.f32 v4, v4;
	_ =	sdelay $0x1  }
0x40: {  	v5 =	vsub.f32 v5, v6;
	_ =	sdelay $0x1  }
0x41: {  	v5 =	vadd.f32 $9.999999960e-13, v5;
	_ =	sdelay $0x1  }
0x42: {  	v6 =	vshra.s32 v5, $0x1;
	v5 =	vmul.f32 $5.000000000e-01, v5  }
0x43: {  	v6 =	vsub.s32 $0x5F3759DF, v6  }
0x44: {  	v8 =	vmul.f32 v6, v5;
	_ =	sdelay $0x1  }
0x45: {  	v8 =	vmul.f32 v6, v8;
	_ =	sdelay $0x1  }
0x46: {  	v8 =	vsub.f32 $1.500000000e+00, v8;
	_ =	sdelay $0x1  }
0x47: {  	v6 =	vmul.f32 v6, v8;
	_ =	sdelay $0x1  }
0x48: {  	v8 =	vmul.f32 v6, v5;
	_ =	sdelay $0x1  }
0x49: {  	v8 =	vmul.f32 v8, v6;
	_ =	sdelay $0x1  }
0x4a: {  	v8 =	vsub.f32 $1.500000000e+00, v8;
	_ =	sdelay $0x1  }
0x4b: {  	v6 =	vmul.f32 v8, v6;
	_ =	sdelay $0x1  }
0x4c: {  	v8 =	vmul.f32 v6, v5;
	_ =	sdelay $0x1  }
0x4d: {  	v8 =	vmul.f32 v8, v6;
	_ =	sdelay $0x1  }
0x4e: {  	v8 =	vsub.f32 $1.500000000e+00, v8;
	_ =	sdelay $0x1  }
0x4f: {  	s30 =	simm.s32 $0x0;
	s31 =	sadd.s32 $0x0, s19;
	v6 =	vmul.f32 v8, v6  }
0x50: {  	s23 =	sand.u32 $0x1FF80, s31;
	s21 =	sand.u32 $0x70, s30  }
0x51: {  	s21 =	sor.u32 s21, s23;
	[tilespmem:s22+$0x0] =	vst v7;
	v5 =	vmul.f32 v6, v5  }
0x52: {  	v7 =	vld [tilespmem:s21+$0x0]  }
0x53: {  	v5 =	vmul.f32 v5, v6;
	_ =	sdelay $0x1  }
0x54: {  	s22 =	simm.s32 $0x18000;
	v5 =	vsub.f32 $1.500000000e+00, v5  }
0x55: {  	v8 =	vld [tilespmem:s22+$0x0]  }
0x56: {  	s23 =	simm.s32 $0x18300;
	v5 =	vmul.f32 v5, v6;
	v6 =	vsub.f32 v7, v4  }
0x57: {  	v7 =	vld [tilespmem:s23+$0x0]  }
0x58: {  	v6 =	vmul.f32 v6, v5;
	_ =	sdelay $0x1  }
0x59: {  	v6 =	vmul.f32 v6, v8;
	_ =	sdelay $0x1  }
0x5a: {  	s24 =	simm.s32 $0x10;
	s26 =	sadd.s32 $0x10, s19;
	s25 =	simm.s32 $0x20;
	v6 =	vadd.f32 v6, v7  }
.LBB2_6:
0x5b: {  	p0 =	sne.s32 s25, $0x2F0;
	s26 =	sand.u32 $0x1FF80, s26;
	s24 =	sand.u32 $0x70, s24  }
0x5c: {  	[tilespmem:s21+$0x0] =	vst v6;
	s21 =	sor.u32 s24, s26;
	s24 =	smov.u32 s25  }
0x5d: {  	v6 =	vld [tilespmem:s21+$0x0];
	_ =	sdelay $0x2  }
0x5e: {  	s22 =	sadd.s32 $0x10, s22  }
0x5f: {  	v7 =	vld [tilespmem:s22+$0x0]  }
0x60: {  	s23 =	sadd.s32 $0x10, s23;
	v6 =	vsub.f32 v6, v4  }
0x61: {  	v8 =	vld [tilespmem:s23+$0x0]  }
.Ltmp1:
0x62: {  	v6 =	vmul.f32 v6, v5;
	(pc) =	sbr.rel @p0 .LBB2_6-.Ltmp1, $3  }
0x63: {  	_ = 	snop  }
0x64: {  	v6 =	vmul.f32 v6, v7;
	_ =	sdelay $0x1  }
0x65: {  	s25 =	sadd.s32 $0x10, s25;
	s26 =	sadd.s32 s24, s19;
	v6 =	vadd.f32 v6, v8  }
0x66: {  	s25 =	sand.u32 $0x1FF80, s26;
	s24 =	sand.u32 $0x70, s24  }
0x67: {  	s24 =	sor.u32 s24, s25;
	[tilespmem:s21+$0x0] =	vst v6  }
0x68: {  	v6 =	vld [tilespmem:s24+$0x0];
	_ =	sdelay $0x2  }
0x69: {  	s30 =	sadd.s32 $0x10, s22  }
0x6a: {  	v7 =	vld [tilespmem:s30+$0x0]  }
0x6b: {  	s31 =	sadd.s32 $0x10, s23;
	v4 =	vsub.f32 v6, v4  }
0x6c: {  	v63 =	vld [tilespmem:s31+$0x0]  }
0x6d: {  	s20 =	sadd.s32 $0x1, s20;
	v4 =	vmul.f32 v4, v5  }
0x6e: {  	p0 =	sne.s32 s20, $0x40  }
.Ltmp2:
0x6f: {  	v4 =	vmul.f32 v4, v7;
	(pc) =	sbr.rel @p0 .LBB2_3-.Ltmp2, $3  }
0x70: {  	_ = 	snop  }
0x71: {  	v4 =	vadd.f32 v4, v63;
	_ =	sdelay $0x1  }
0x72: {  	s19 =	sadd.s32 $0x300, s19;
	[tilespmem:s24+$0x0] =	vst v4  }
0x73: {  	s16 =	sadd.s32 $0x1, s16  }
0x74: {  	p0 =	sne.s32 s16, $0x10  }
.Ltmp3:
0x75: {  	s17 =	sadd.s32 s8, s17;
	(pc) =	sbr.rel @p0 .LBB2_2-.Ltmp3, $4  }
0x76: {  	[hbm4b:s17+s5] =	stream.linear.scatter [tilespmem:s5], [sflag:$0x1], $0xC000, $0x38;
	[tilespmem:$0x18600] =	vst v63  }
0x77: {  	_ =	swait.ge [sflag:s12], $0xC000  }
0x78: {  	[sflag:s12] =	ssyncset.done $0x0  }
0x79: {  	[sflag:s12] =	ssyncadd.s32 $0xFFFF4000  }
0x7a: {  	s15 =	sadd.s32 $0x1, s15  }
0x7b: {  	p0 =	sne.s32 s15, s10  }
.Ltmp4:
0x7c: {  	_ = 	snop;
	(pc) =	sbr.rel @p0 .LBB2_1-.Ltmp4, $1  }
0x7d: {  	_ =	sdelay $0x3  }
0x7e: {  	_ =	sfence.sel $0x180000  }
0x7f: {  	[bflag:$0x0] =	sbarrier.arrive $0xFFFF  }
0x80: {  	p0 =	sne.s32 s4, $0x0;
	_ =	strace $0x90000047  }
0x81: {  	s0 =	sadd.s32 @!p0 $0x100000, s2;
	[bflag:$0x2] =	sbarrier.arrive $0xFFFF  }
0x82: {  	[sflag:s0] =	ssyncadd.tile.s32 @!p0 $0x1;
	_ =	shalt  }
.Lfunc_end2:
_tile_overlayer_lowered:
.L_overlay_start_2:
0x83: {  	(tag) =	ssettag $0x2  }
0x84: {  	s0 =	rddreg [dreg:$0x0];
	s2 =	stileid.u32  }
0x85: {  	s1 =	rddreg [dreg:$0x1];
	p0 =	sne.s32 s2, $0x0  }
0x86: {  	s3 =	rddreg [dreg:$0x2];
	[bflag:$0x3] =	sbarrier.arrive $0xFFFF;
	s2 =	simm.s32 @!p0 $0x1C01  }
0x87: {  	[timem:s3], [sflag:s2] =	dma.local @!p0 [hbm:s0], s1  }
0x88: {  	s0 =	simm.s32 @!p0 $0x1  }
0x89: {  	_ =	swait.ge @!p0 [sflag:s0], s1  }
0x8a: {  	s1 =	ssub.s32 @!p0 $0x0, s1;
	[sflag:s0] =	ssyncset.done @!p0 $0x0  }
0x8b: {  	[sflag:s0] =	ssyncadd.s32 @!p0 s1  }
0x8c: {  	[bflag:$0x3] =	sbarrier.arrive $0xFFFF  }
0x8d: {  	_ =	shalt  }

</sc_bundles>
